<compile_context>
chip_gen: v7x
topology: tpu7x:2x2x1
jax: 0.10.2.dev20260603
libtpu: 0.0.44.dev20260713+nightly
codegen_flags: <defaults>
</compile_context>

<pallas_src>
import functools

import jax
import jax.numpy as jnp
from jax import lax
from jax.experimental import pallas as pl
from jax.experimental.pallas import tpu as pltpu
from jax.experimental.pallas import tpu_sc as plsc

_NUM_CORES = 2
_NUM_SUBCORES = 16
_NW = _NUM_CORES * _NUM_SUBCORES

_NB = 16384
_S = 50
_D = 64
_V = 1000000
_B = _NB * _S
_B_PER_W = _B // _NW
_CHUNK = 512
_N_CHUNKS = _B_PER_W // _CHUNK

_mesh = plsc.VectorSubcoreMesh(
    core_axis_name="c",
    subcore_axis_name="s",
    num_cores=_NUM_CORES,
    num_subcores=_NUM_SUBCORES,
)


@functools.partial(
    pl.kernel,
    out_type=jax.ShapeDtypeStruct((_B, _D), jnp.float32),
    mesh=_mesh,
    compiler_params=pltpu.CompilerParams(use_tc_tiling_on_sc=False),
    scratch_types=[
        pltpu.VMEM((_B_PER_W,), jnp.int32),
        pltpu.VMEM((_CHUNK, _D), jnp.float32),
        pltpu.VMEM((_CHUNK, _D), jnp.float32),
        pltpu.SemaphoreType.DMA,
        pltpu.SemaphoreType.DMA,
        pltpu.SemaphoreType.DMA,
        pltpu.SemaphoreType.DMA,
    ],
)
def _gather_kernel(table_hbm, idx_hbm, out_hbm, idx_v, rows0, rows1,
                   gsem0, gsem1, wsem0, wsem1):
    wid = lax.axis_index("s") * _NUM_CORES + lax.axis_index("c")
    base = wid * _B_PER_W
    pltpu.sync_copy(idx_hbm.at[pl.ds(base, _B_PER_W)], idx_v)

    bufs = (rows0, rows1)
    gsems = (gsem0, gsem1)
    wsems = (wsem0, wsem1)

    def start_gather(i, slot):
        pltpu.async_copy(
            table_hbm.at[idx_v.at[pl.ds(i * _CHUNK, _CHUNK)]],
            bufs[slot], gsems[slot])

    def wait_gather(slot):
        pltpu.make_async_copy(
            table_hbm.at[idx_v.at[pl.ds(0, _CHUNK)]],
            bufs[slot], gsems[slot]).wait()

    def start_wb(i, slot):
        pltpu.async_copy(
            bufs[slot], out_hbm.at[pl.ds(base + i * _CHUNK, _CHUNK)],
            wsems[slot])

    def wait_wb(slot):
        pltpu.make_async_copy(
            bufs[slot], out_hbm.at[pl.ds(base, _CHUNK)], wsems[slot]).wait()

    start_gather(0, 0)
    start_gather(1, 1)
    wait_gather(0)
    start_wb(0, 0)

    def pair_body(p, carry):
        j = 1 + 2 * p
        wait_wb(0)
        start_gather(j + 1, 0)
        wait_gather(1)
        start_wb(j, 1)
        wait_wb(1)
        start_gather(j + 2, 1)
        wait_gather(0)
        start_wb(j + 1, 0)
        return carry

    lax.fori_loop(0, (_N_CHUNKS - 2) // 2, pair_body, 0)

    wait_gather(1)
    start_wb(_N_CHUNKS - 1, 1)
    wait_wb(0)
    wait_wb(1)



_WBLK = 2048


def _w_tc_body(in_ref, out_ref):
    t = in_ref[...].T.reshape(_WBLK // 2, 2, _D)
    out_ref[...] = jnp.concatenate([t[:, 0, :], t[:, 1, :]], axis=1)


_w_tc = pl.pallas_call(
    _w_tc_body,
    out_shape=jax.ShapeDtypeStruct((_V // 2, 2 * _D), jnp.float32),
    grid=(_V // _WBLK + 1,),
    in_specs=[pl.BlockSpec((_D, _WBLK), lambda k: (0, k))],
    out_specs=pl.BlockSpec((_WBLK // 2, 2 * _D), lambda k: (k, 0)),
)

_SP = _S // 2


def _o_tc_body(in_ref, out_ref):
    t = in_ref[...].reshape(128, _SP, 128)
    for sp in range(_SP):
        out_ref[pl.ds(sp * 128, 128), :] = t[:, sp, :].T


_o_tc = pl.pallas_call(
    _o_tc_body,
    out_shape=jax.ShapeDtypeStruct((_S * _D, _NB), jnp.float32),
    grid=(_NB // 128,),
    in_specs=[pl.BlockSpec((128 * _SP, 128), lambda m: (m, 0))],
    out_specs=pl.BlockSpec((_S * _D, 128), lambda m: (0, m)),
)


def kernel(token_ids, weight):
    flat = token_ids.reshape(-1)
    wlin = _w_tc(weight.T).reshape(_V, _D)
    out_flat = _gather_kernel(wlin, flat)
    o2d = _o_tc(out_flat.reshape(_B // 2, 2 * _D))
    return jnp.transpose(o2d.reshape(_S, _D, _NB), (2, 0, 1))

# --- scband reference (transcript-rebuilt; emitter-appended) ---
"""Pipeline reference for scband-embedding-68341519614606 (READ-ONLY COPY).

The authoritative reference and input builder live on the scoring server;
editing this copy changes nothing except your own understanding.
"""

import jax, jax.numpy as jnp
import numpy as np

NUM_EMBEDDINGS = 1000000
EMBEDDING_DIM = 64


def setup_inputs(seed: int = 0) -> dict:
    key = jax.random.key(seed)
    k_idx, k_w = jax.random.split(key)
    token_ids = jax.random.randint(k_idx, (16384, 50), 0, NUM_EMBEDDINGS, dtype=jnp.int64 if jax.config.jax_enable_x64 else jnp.int32)
    std = float(np.sqrt(2.0 / (NUM_EMBEDDINGS + EMBEDDING_DIM)))
    # truncated normal in [-3*std, 3*std], matching nn.init.trunc_normal_
    weight = jax.random.truncated_normal(k_w, -3.0, 3.0, (NUM_EMBEDDINGS, EMBEDDING_DIM), dtype=jnp.float32) * std
    return {"token_ids": token_ids, "weight": weight}


def reference(token_ids, weight):
    # Faithful translation of Embedding.forward: self.weight[token_ids]
    return jnp.take(weight, token_ids, axis=0)

if __name__ == "__main__":
    import jax
    _d = setup_inputs()
    print(jax.jit(kernel)(*tuple(_d.values())))

</pallas_src>

<mosaic_0001>
#map = affine_map<(d0, d1) -> (0, 0)>
#map1 = affine_map<(d0, d1) -> (0)>
module attributes {stable_mosaic.version = 14 : i64} {
  func.func @_gather_kernel(%arg0: i32, %arg1: i32, %arg2: memref<1000000x64xf32, #tpu.memory_space<hbm>>, %arg3: memref<819200xi32, #tpu.memory_space<hbm>>, %arg4: memref<819200x64xf32, #tpu.memory_space<hbm>>, %arg5: memref<25600xi32, #tpu.memory_space<vmem>>, %arg6: memref<512x64xf32, #tpu.memory_space<vmem>>, %arg7: memref<512x64xf32, #tpu.memory_space<vmem>>, %arg8: memref<!tpu.dma_semaphore, #tpu.memory_space<semaphore_mem>>, %arg9: memref<!tpu.dma_semaphore, #tpu.memory_space<semaphore_mem>>, %arg10: memref<!tpu.dma_semaphore, #tpu.memory_space<semaphore_mem>>, %arg11: memref<!tpu.dma_semaphore, #tpu.memory_space<semaphore_mem>>) attributes {dimension_semantics = [#tpu.dimension_semantics<core_parallel>, #tpu.dimension_semantics<subcore_parallel>], iteration_bounds = array<i64: 2, 16>, scalar_prefetch = 0 : i64, scratch_operands = 7 : i64, tpu.core_type = #tpu.core_type<sc_vector_subcore>, window_params = [{transform_indices = #map}, {transform_indices = #map1}, {transform_indices = #map}]} {
    %mul3A = arith.constant 2 : i32
    %mul3A_0 = arith.muli %arg1, %mul3A : i32
    %add3A = arith.addi %mul3A_0, %arg0 : i32
    %mul3A_1 = arith.constant 25600 : i32
    %mul3A_2 = arith.muli %add3A, %mul3A_1 : i32
    "tpu.region"() ({
      %run_scoped3A = tpu.sem_alloc : memref<!tpu.dma_semaphore, #tpu.memory_space<semaphore_mem>>
      %dma_start3A_46 = tpu.memref_slice %arg3[%mul3A_2] : memref<819200xi32, #tpu.memory_space<hbm>> -> memref<25600xi32, #tpu.memory_space<hbm>>
      %dma_start3A_47 = tpu.memref_slice %arg3[%mul3A_2] : memref<819200xi32, #tpu.memory_space<hbm>> -> memref<25600xi32, #tpu.memory_space<hbm>>
      tpu.enqueue_dma source(%dma_start3A_47 : memref<25600xi32, #tpu.memory_space<hbm>>) target(%arg5 : memref<25600xi32, #tpu.memory_space<vmem>>) target_semaphore(%run_scoped3A : memref<!tpu.dma_semaphore, #tpu.memory_space<semaphore_mem>>)
      %dma_wait3A_48 = tpu.memref_slice %arg3[%mul3A_2] : memref<819200xi32, #tpu.memory_space<hbm>> -> memref<25600xi32, #tpu.memory_space<hbm>>
      %dma_wait3A_49 = tpu.memref_slice %arg3[%mul3A_2] : memref<819200xi32, #tpu.memory_space<hbm>> -> memref<25600xi32, #tpu.memory_space<hbm>>
      tpu.wait_dma2 semaphore(%run_scoped3A : memref<!tpu.dma_semaphore, #tpu.memory_space<semaphore_mem>>) src(%dma_wait3A_49 : memref<25600xi32, #tpu.memory_space<hbm>>) dst(%arg5 : memref<25600xi32, #tpu.memory_space<vmem>>)
      tpu.yield
    }) : () -> ()
    %dma_start3A = arith.constant 0 : i32
    %dma_start3A_3 = tpu.memref_slice %arg5[%dma_start3A] : memref<25600xi32, #tpu.memory_space<vmem>> -> memref<512xi32, #tpu.memory_space<vmem>>
    %dma_start3A_4 = arith.constant 0 : i32
    %dma_start3A_5 = arith.constant 0 : i32
    %dma_start3A_6 = tpu.memref_slice %arg2[%dma_start3A_4, %dma_start3A_5] : memref<1000000x64xf32, #tpu.memory_space<hbm>> -> memref<1000000x64xf32, #tpu.memory_space<hbm>>
    tpu.enqueue_indirect_dma source(%dma_start3A_6 : memref<1000000x64xf32, #tpu.memory_space<hbm>>) target(%arg6 : memref<512x64xf32, #tpu.memory_space<vmem>>) offsets(%dma_start3A_3 : memref<512xi32, #tpu.memory_space<vmem>>) semaphore(%arg8 : memref<!tpu.dma_semaphore, #tpu.memory_space<semaphore_mem>>)
    %dma_start3A_7 = arith.constant 512 : i32
    %dma_start3A_8 = tpu.memref_slice %arg5[%dma_start3A_7] : memref<25600xi32, #tpu.memory_space<vmem>> -> memref<512xi32, #tpu.memory_space<vmem>>
    %dma_start3A_9 = arith.constant 0 : i32
    %dma_start3A_10 = arith.constant 0 : i32
    %dma_start3A_11 = tpu.memref_slice %arg2[%dma_start3A_9, %dma_start3A_10] : memref<1000000x64xf32, #tpu.memory_space<hbm>> -> memref<1000000x64xf32, #tpu.memory_space<hbm>>
    tpu.enqueue_indirect_dma source(%dma_start3A_11 : memref<1000000x64xf32, #tpu.memory_space<hbm>>) target(%arg7 : memref<512x64xf32, #tpu.memory_space<vmem>>) offsets(%dma_start3A_8 : memref<512xi32, #tpu.memory_space<vmem>>) semaphore(%arg9 : memref<!tpu.dma_semaphore, #tpu.memory_space<semaphore_mem>>)
    %dma_wait3A = arith.constant 0 : i32
    %dma_wait3A_12 = tpu.memref_slice %arg5[%dma_wait3A] : memref<25600xi32, #tpu.memory_space<vmem>> -> memref<512xi32, #tpu.memory_space<vmem>>
    %dma_wait3A_13 = arith.constant 0 : i32
    %dma_wait3A_14 = arith.constant 0 : i32
    %dma_wait3A_15 = tpu.memref_slice %arg2[%dma_wait3A_13, %dma_wait3A_14] : memref<1000000x64xf32, #tpu.memory_space<hbm>> -> memref<1000000x64xf32, #tpu.memory_space<hbm>>
    tpu.wait_indirect_dma semaphore(%arg8 : memref<!tpu.dma_semaphore, #tpu.memory_space<semaphore_mem>>) src(%dma_wait3A_15 : memref<1000000x64xf32, #tpu.memory_space<hbm>>) dst(%arg6 : memref<512x64xf32, #tpu.memory_space<vmem>>)
    %add3A_16 = arith.constant 0 : i32
    %add3A_17 = arith.addi %mul3A_2, %add3A_16 : i32
    %dma_start3A_18 = arith.constant 0 : i32
    %dma_start3A_19 = tpu.memref_slice %arg4[%add3A_17, %dma_start3A_18] : memref<819200x64xf32, #tpu.memory_space<hbm>> -> memref<512x64xf32, #tpu.memory_space<hbm>>
    %dma_start3A_20 = arith.constant 0 : i32
    %dma_start3A_21 = tpu.memref_slice %arg4[%add3A_17, %dma_start3A_20] : memref<819200x64xf32, #tpu.memory_space<hbm>> -> memref<512x64xf32, #tpu.memory_space<hbm>>
    tpu.enqueue_dma source(%arg6 : memref<512x64xf32, #tpu.memory_space<vmem>>) target(%dma_start3A_21 : memref<512x64xf32, #tpu.memory_space<hbm>>) target_semaphore(%arg10 : memref<!tpu.dma_semaphore, #tpu.memory_space<semaphore_mem>>)
    %scan3A = arith.constant 0 : i32
    %scan3A_22 = arith.constant 0 : i32
    %scan3A_23 = arith.constant 24 : i32
    %scan3A_24 = arith.addi %scan3A_22, %scan3A_23 : i32
    %scan3A_25 = arith.constant 1 : i32
    scf.for %scan3A_46 = %scan3A_22 to %scan3A_24 step %scan3A_25  : i32 {
      %mul3A_47 = arith.constant 2 : i32
      %mul3A_48 = arith.muli %mul3A_47, %scan3A_46 : i32
      %add3A_49 = arith.constant 1 : i32
      %add3A_50 = arith.addi %add3A_49, %mul3A_48 : i32
      %dma_wait3A_51 = arith.constant 0 : i32
      %dma_wait3A_52 = tpu.memref_slice %arg4[%mul3A_2, %dma_wait3A_51] : memref<819200x64xf32, #tpu.memory_space<hbm>> -> memref<512x64xf32, #tpu.memory_space<hbm>>
      %dma_wait3A_53 = arith.constant 0 : i32
      %dma_wait3A_54 = tpu.memref_slice %arg4[%mul3A_2, %dma_wait3A_53] : memref<819200x64xf32, #tpu.memory_space<hbm>> -> memref<512x64xf32, #tpu.memory_space<hbm>>
      tpu.wait_dma2 semaphore(%arg10 : memref<!tpu.dma_semaphore, #tpu.memory_space<semaphore_mem>>) src(%arg6 : memref<512x64xf32, #tpu.memory_space<vmem>>) dst(%dma_wait3A_54 : memref<512x64xf32, #tpu.memory_space<hbm>>)
      %add3A_55 = arith.constant 1 : i32
      %add3A_56 = arith.addi %add3A_50, %add3A_55 : i32
      %mul3A_57 = arith.constant 512 : i32
      %mul3A_58 = arith.muli %add3A_56, %mul3A_57 : i32
      %dma_start3A_59 = tpu.memref_slice %arg5[%mul3A_58] : memref<25600xi32, #tpu.memory_space<vmem>> -> memref<512xi32, #tpu.memory_space<vmem>>
      %dma_start3A_60 = arith.constant 0 : i32
      %dma_start3A_61 = arith.constant 0 : i32
      %dma_start3A_62 = tpu.memref_slice %arg2[%dma_start3A_60, %dma_start3A_61] : memref<1000000x64xf32, #tpu.memory_space<hbm>> -> memref<1000000x64xf32, #tpu.memory_space<hbm>>
      tpu.enqueue_indirect_dma source(%dma_start3A_62 : memref<1000000x64xf32, #tpu.memory_space<hbm>>) target(%arg6 : memref<512x64xf32, #tpu.memory_space<vmem>>) offsets(%dma_start3A_59 : memref<512xi32, #tpu.memory_space<vmem>>) semaphore(%arg8 : memref<!tpu.dma_semaphore, #tpu.memory_space<semaphore_mem>>)
      %dma_wait3A_63 = arith.constant 0 : i32
      %dma_wait3A_64 = tpu.memref_slice %arg5[%dma_wait3A_63] : memref<25600xi32, #tpu.memory_space<vmem>> -> memref<512xi32, #tpu.memory_space<vmem>>
      %dma_wait3A_65 = arith.constant 0 : i32
      %dma_wait3A_66 = arith.constant 0 : i32
      %dma_wait3A_67 = tpu.memref_slice %arg2[%dma_wait3A_65, %dma_wait3A_66] : memref<1000000x64xf32, #tpu.memory_space<hbm>> -> memref<1000000x64xf32, #tpu.memory_space<hbm>>
      tpu.wait_indirect_dma semaphore(%arg9 : memref<!tpu.dma_semaphore, #tpu.memory_space<semaphore_mem>>) src(%dma_wait3A_67 : memref<1000000x64xf32, #tpu.memory_space<hbm>>) dst(%arg7 : memref<512x64xf32, #tpu.memory_space<vmem>>)
      %mul3A_68 = arith.constant 512 : i32
      %mul3A_69 = arith.muli %add3A_50, %mul3A_68 : i32
      %add3A_70 = arith.addi %mul3A_2, %mul3A_69 : i32
      %dma_start3A_71 = arith.constant 0 : i32
      %dma_start3A_72 = tpu.memref_slice %arg4[%add3A_70, %dma_start3A_71] : memref<819200x64xf32, #tpu.memory_space<hbm>> -> memref<512x64xf32, #tpu.memory_space<hbm>>
      %dma_start3A_73 = arith.constant 0 : i32
      %dma_start3A_74 = tpu.memref_slice %arg4[%add3A_70, %dma_start3A_73] : memref<819200x64xf32, #tpu.memory_space<hbm>> -> memref<512x64xf32, #tpu.memory_space<hbm>>
      tpu.enqueue_dma source(%arg7 : memref<512x64xf32, #tpu.memory_space<vmem>>) target(%dma_start3A_74 : memref<512x64xf32, #tpu.memory_space<hbm>>) target_semaphore(%arg11 : memref<!tpu.dma_semaphore, #tpu.memory_space<semaphore_mem>>)
      %dma_wait3A_75 = arith.constant 0 : i32
      %dma_wait3A_76 = tpu.memref_slice %arg4[%mul3A_2, %dma_wait3A_75] : memref<819200x64xf32, #tpu.memory_space<hbm>> -> memref<512x64xf32, #tpu.memory_space<hbm>>
      %dma_wait3A_77 = arith.constant 0 : i32
      %dma_wait3A_78 = tpu.memref_slice %arg4[%mul3A_2, %dma_wait3A_77] : memref<819200x64xf32, #tpu.memory_space<hbm>> -> memref<512x64xf32, #tpu.memory_space<hbm>>
      tpu.wait_dma2 semaphore(%arg11 : memref<!tpu.dma_semaphore, #tpu.memory_space<semaphore_mem>>) src(%arg7 : memref<512x64xf32, #tpu.memory_space<vmem>>) dst(%dma_wait3A_78 : memref<512x64xf32, #tpu.memory_space<hbm>>)
      %add3A_79 = arith.constant 2 : i32
      %add3A_80 = arith.addi %add3A_50, %add3A_79 : i32
      %mul3A_81 = arith.constant 512 : i32
      %mul3A_82 = arith.muli %add3A_80, %mul3A_81 : i32
      %dma_start3A_83 = tpu.memref_slice %arg5[%mul3A_82] : memref<25600xi32, #tpu.memory_space<vmem>> -> memref<512xi32, #tpu.memory_space<vmem>>
      %dma_start3A_84 = arith.constant 0 : i32
      %dma_start3A_85 = arith.constant 0 : i32
      %dma_start3A_86 = tpu.memref_slice %arg2[%dma_start3A_84, %dma_start3A_85] : memref<1000000x64xf32, #tpu.memory_space<hbm>> -> memref<1000000x64xf32, #tpu.memory_space<hbm>>
      tpu.enqueue_indirect_dma source(%dma_start3A_86 : memref<1000000x64xf32, #tpu.memory_space<hbm>>) target(%arg7 : memref<512x64xf32, #tpu.memory_space<vmem>>) offsets(%dma_start3A_83 : memref<512xi32, #tpu.memory_space<vmem>>) semaphore(%arg9 : memref<!tpu.dma_semaphore, #tpu.memory_space<semaphore_mem>>)
      %dma_wait3A_87 = arith.constant 0 : i32
      %dma_wait3A_88 = tpu.memref_slice %arg5[%dma_wait3A_87] : memref<25600xi32, #tpu.memory_space<vmem>> -> memref<512xi32, #tpu.memory_space<vmem>>
      %dma_wait3A_89 = arith.constant 0 : i32
      %dma_wait3A_90 = arith.constant 0 : i32
      %dma_wait3A_91 = tpu.memref_slice %arg2[%dma_wait3A_89, %dma_wait3A_90] : memref<1000000x64xf32, #tpu.memory_space<hbm>> -> memref<1000000x64xf32, #tpu.memory_space<hbm>>
      tpu.wait_indirect_dma semaphore(%arg8 : memref<!tpu.dma_semaphore, #tpu.memory_space<semaphore_mem>>) src(%dma_wait3A_91 : memref<1000000x64xf32, #tpu.memory_space<hbm>>) dst(%arg6 : memref<512x64xf32, #tpu.memory_space<vmem>>)
      %add3A_92 = arith.constant 1 : i32
      %add3A_93 = arith.addi %add3A_50, %add3A_92 : i32
      %mul3A_94 = arith.constant 512 : i32
      %mul3A_95 = arith.muli %add3A_93, %mul3A_94 : i32
      %add3A_96 = arith.addi %mul3A_2, %mul3A_95 : i32
      %dma_start3A_97 = arith.constant 0 : i32
      %dma_start3A_98 = tpu.memref_slice %arg4[%add3A_96, %dma_start3A_97] : memref<819200x64xf32, #tpu.memory_space<hbm>> -> memref<512x64xf32, #tpu.memory_space<hbm>>
      %dma_start3A_99 = arith.constant 0 : i32
      %dma_start3A_100 = tpu.memref_slice %arg4[%add3A_96, %dma_start3A_99] : memref<819200x64xf32, #tpu.memory_space<hbm>> -> memref<512x64xf32, #tpu.memory_space<hbm>>
      tpu.enqueue_dma source(%arg6 : memref<512x64xf32, #tpu.memory_space<vmem>>) target(%dma_start3A_100 : memref<512x64xf32, #tpu.memory_space<hbm>>) target_semaphore(%arg10 : memref<!tpu.dma_semaphore, #tpu.memory_space<semaphore_mem>>)
    }
    %scan3A_26 = arith.constant 24 : i32
    %dma_wait3A_27 = arith.constant 0 : i32
    %dma_wait3A_28 = tpu.memref_slice %arg5[%dma_wait3A_27] : memref<25600xi32, #tpu.memory_space<vmem>> -> memref<512xi32, #tpu.memory_space<vmem>>
    %dma_wait3A_29 = arith.constant 0 : i32
    %dma_wait3A_30 = arith.constant 0 : i32
    %dma_wait3A_31 = tpu.memref_slice %arg2[%dma_wait3A_29, %dma_wait3A_30] : memref<1000000x64xf32, #tpu.memory_space<hbm>> -> memref<1000000x64xf32, #tpu.memory_space<hbm>>
    tpu.wait_indirect_dma semaphore(%arg9 : memref<!tpu.dma_semaphore, #tpu.memory_space<semaphore_mem>>) src(%dma_wait3A_31 : memref<1000000x64xf32, #tpu.memory_space<hbm>>) dst(%arg7 : memref<512x64xf32, #tpu.memory_space<vmem>>)
    %add3A_32 = arith.constant 25088 : i32
    %add3A_33 = arith.addi %mul3A_2, %add3A_32 : i32
    %dma_start3A_34 = arith.constant 0 : i32
    %dma_start3A_35 = tpu.memref_slice %arg4[%add3A_33, %dma_start3A_34] : memref<819200x64xf32, #tpu.memory_space<hbm>> -> memref<512x64xf32, #tpu.memory_space<hbm>>
    %dma_start3A_36 = arith.constant 0 : i32
    %dma_start3A_37 = tpu.memref_slice %arg4[%add3A_33, %dma_start3A_36] : memref<819200x64xf32, #tpu.memory_space<hbm>> -> memref<512x64xf32, #tpu.memory_space<hbm>>
    tpu.enqueue_dma source(%arg7 : memref<512x64xf32, #tpu.memory_space<vmem>>) target(%dma_start3A_37 : memref<512x64xf32, #tpu.memory_space<hbm>>) target_semaphore(%arg11 : memref<!tpu.dma_semaphore, #tpu.memory_space<semaphore_mem>>)
    %dma_wait3A_38 = arith.constant 0 : i32
    %dma_wait3A_39 = tpu.memref_slice %arg4[%mul3A_2, %dma_wait3A_38] : memref<819200x64xf32, #tpu.memory_space<hbm>> -> memref<512x64xf32, #tpu.memory_space<hbm>>
    %dma_wait3A_40 = arith.constant 0 : i32
    %dma_wait3A_41 = tpu.memref_slice %arg4[%mul3A_2, %dma_wait3A_40] : memref<819200x64xf32, #tpu.memory_space<hbm>> -> memref<512x64xf32, #tpu.memory_space<hbm>>
    tpu.wait_dma2 semaphore(%arg10 : memref<!tpu.dma_semaphore, #tpu.memory_space<semaphore_mem>>) src(%arg6 : memref<512x64xf32, #tpu.memory_space<vmem>>) dst(%dma_wait3A_41 : memref<512x64xf32, #tpu.memory_space<hbm>>)
    %dma_wait3A_42 = arith.constant 0 : i32
    %dma_wait3A_43 = tpu.memref_slice %arg4[%mul3A_2, %dma_wait3A_42] : memref<819200x64xf32, #tpu.memory_space<hbm>> -> memref<512x64xf32, #tpu.memory_space<hbm>>
    %dma_wait3A_44 = arith.constant 0 : i32
    %dma_wait3A_45 = tpu.memref_slice %arg4[%mul3A_2, %dma_wait3A_44] : memref<819200x64xf32, #tpu.memory_space<hbm>> -> memref<512x64xf32, #tpu.memory_space<hbm>>
    tpu.wait_dma2 semaphore(%arg11 : memref<!tpu.dma_semaphore, #tpu.memory_space<semaphore_mem>>) src(%arg7 : memref<512x64xf32, #tpu.memory_space<vmem>>) dst(%dma_wait3A_45 : memref<512x64xf32, #tpu.memory_space<hbm>>)
    return
  }
}

module attributes {stable_mosaic.version = 14 : i64} {
  func.func @_w_tc_body(%arg0: i32, %arg1: memref<64x2048xf32, #tpu.memory_space<vmem>>, %arg2: memref<1024x128xf32, #tpu.memory_space<vmem>>) attributes {dimension_semantics = [#tpu.dimension_semantics<arbitrary>], iteration_bounds = array<i64: 489>, scalar_prefetch = 0 : i64, scratch_operands = 0 : i64, tpu.core_type = #tpu.core_type<tc>, window_params = [{transform_indices = @transform_0, window_bounds = array<i64: 64, 2048>}, {transform_indices = @transform_1, window_bounds = array<i64: 1024, 128>}]} {
    %get3A = arith.constant 0 : index
    %get3A_0 = arith.constant 0 : index
    %get3A_1 = vector.load %arg1[%get3A, %get3A_0] : memref<64x2048xf32, #tpu.memory_space<vmem>>, vector<64x2048xf32>
    %transpose3A = tpu.transpose %get3A_1, [1, 0] : vector<64x2048xf32> -> vector<2048x64xf32>
    %reshape3A = vector.shape_cast %transpose3A : vector<2048x64xf32> to vector<1024x2x64xf32>
    %slice3A = vector.extract_strided_slice %reshape3A {offsets = [0, 0, 0], sizes = [1024, 1, 64], strides = [1, 1, 1]} : vector<1024x2x64xf32> to vector<1024x1x64xf32>
    %squeeze3A = vector.shape_cast %slice3A : vector<1024x1x64xf32> to vector<1024x64xf32>
    %slice3A_2 = vector.extract_strided_slice %reshape3A {offsets = [0, 1, 0], sizes = [1024, 1, 64], strides = [1, 1, 1]} : vector<1024x2x64xf32> to vector<1024x1x64xf32>
    %squeeze3A_3 = vector.shape_cast %slice3A_2 : vector<1024x1x64xf32> to vector<1024x64xf32>
    %concatenate3A = tpu.concatenate %squeeze3A, %squeeze3A_3 in 1 : vector<1024x64xf32>, vector<1024x64xf32> -> vector<1024x128xf32>
    %swap3A = arith.constant 0 : index
    %swap3A_4 = arith.constant 0 : index
    %swap3A_5 = vector.load %arg2[%swap3A, %swap3A_4] : memref<1024x128xf32, #tpu.memory_space<vmem>>, vector<1024x128xf32>
    tpu.vector_store %arg2[%swap3A, %swap3A_4], %concatenate3A {strides = array<i32>} : memref<1024x128xf32, #tpu.memory_space<vmem>>, vector<1024x128xf32>,
    return
  }
  func.func @transform_0(%arg0: i32) -> (i32, i32) {
    %c0_i32 = arith.constant 0 : i32
    %c0_i32_0 = arith.constant 0 : i32
    return %c0_i32, %arg0 : i32, i32
  }
  func.func @transform_1(%arg0: i32) -> (i32, i32) {
    %c0_i32 = arith.constant 0 : i32
    %c0_i32_0 = arith.constant 0 : i32
    return %arg0, %c0_i32 : i32, i32
  }
}

module attributes {stable_mosaic.version = 14 : i64} {
  func.func @_o_tc_body(%arg0: i32, %arg1: memref<3200x128xf32, #tpu.memory_space<vmem>>, %arg2: memref<3200x128xf32, #tpu.memory_space<vmem>>) attributes {dimension_semantics = [#tpu.dimension_semantics<arbitrary>], iteration_bounds = array<i64: 128>, scalar_prefetch = 0 : i64, scratch_operands = 0 : i64, tpu.core_type = #tpu.core_type<tc>, window_params = [{transform_indices = @transform_0, window_bounds = array<i64: 3200, 128>}, {transform_indices = @transform_1, window_bounds = array<i64: 3200, 128>}]} {
    %get3A = arith.constant 0 : index
    %get3A_0 = arith.constant 0 : index
    %get3A_1 = vector.load %arg1[%get3A, %get3A_0] : memref<3200x128xf32, #tpu.memory_space<vmem>>, vector<3200x128xf32>
    %reshape3A = vector.shape_cast %get3A_1 : vector<3200x128xf32> to vector<128x25x128xf32>
    %slice3A = vector.extract_strided_slice %reshape3A {offsets = [0, 0, 0], sizes = [128, 1, 128], strides = [1, 1, 1]} : vector<128x25x128xf32> to vector<128x1x128xf32>
    %squeeze3A = vector.shape_cast %slice3A : vector<128x1x128xf32> to vector<128x128xf32>
    %transpose3A = tpu.transpose %squeeze3A, [1, 0] : vector<128x128xf32> -> vector<128x128xf32>
    %swap3A = arith.constant 0 : index
    %swap3A_2 = arith.constant 0 : index
    %swap3A_3 = vector.load %arg2[%swap3A, %swap3A_2] : memref<3200x128xf32, #tpu.memory_space<vmem>>, vector<128x128xf32>
    tpu.vector_store %arg2[%swap3A, %swap3A_2], %transpose3A {strides = array<i32>} : memref<3200x128xf32, #tpu.memory_space<vmem>>, vector<128x128xf32>,
    %slice3A_4 = vector.extract_strided_slice %reshape3A {offsets = [0, 1, 0], sizes = [128, 1, 128], strides = [1, 1, 1]} : vector<128x25x128xf32> to vector<128x1x128xf32>
    %squeeze3A_5 = vector.shape_cast %slice3A_4 : vector<128x1x128xf32> to vector<128x128xf32>
    %transpose3A_6 = tpu.transpose %squeeze3A_5, [1, 0] : vector<128x128xf32> -> vector<128x128xf32>
    %swap3A_7 = arith.constant 128 : index
    %swap3A_8 = arith.constant 0 : index
    %swap3A_9 = vector.load %arg2[%swap3A_7, %swap3A_8] : memref<3200x128xf32, #tpu.memory_space<vmem>>, vector<128x128xf32>
    tpu.vector_store %arg2[%swap3A_7, %swap3A_8], %transpose3A_6 {strides = array<i32>} : memref<3200x128xf32, #tpu.memory_space<vmem>>, vector<128x128xf32>,
    %slice3A_10 = vector.extract_strided_slice %reshape3A {offsets = [0, 2, 0], sizes = [128, 1, 128], strides = [1, 1, 1]} : vector<128x25x128xf32> to vector<128x1x128xf32>
    %squeeze3A_11 = vector.shape_cast %slice3A_10 : vector<128x1x128xf32> to vector<128x128xf32>
    %transpose3A_12 = tpu.transpose %squeeze3A_11, [1, 0] : vector<128x128xf32> -> vector<128x128xf32>
    %swap3A_13 = arith.constant 256 : index
    %swap3A_14 = arith.constant 0 : index
    %swap3A_15 = vector.load %arg2[%swap3A_13, %swap3A_14] : memref<3200x128xf32, #tpu.memory_space<vmem>>, vector<128x128xf32>
    tpu.vector_store %arg2[%swap3A_13, %swap3A_14], %transpose3A_12 {strides = array<i32>} : memref<3200x128xf32, #tpu.memory_space<vmem>>, vector<128x128xf32>,
    %slice3A_16 = vector.extract_strided_slice %reshape3A {offsets = [0, 3, 0], sizes = [128, 1, 128], strides = [1, 1, 1]} : vector<128x25x128xf32> to vector<128x1x128xf32>
    %squeeze3A_17 = vector.shape_cast %slice3A_16 : vector<128x1x128xf32> to vector<128x128xf32>
    %transpose3A_18 = tpu.transpose %squeeze3A_17, [1, 0] : vector<128x128xf32> -> vector<128x128xf32>
    %swap3A_19 = arith.constant 384 : index
    %swap3A_20 = arith.constant 0 : index
    %swap3A_21 = vector.load %arg2[%swap3A_19, %swap3A_20] : memref<3200x128xf32, #tpu.memory_space<vmem>>, vector<128x128xf32>
    tpu.vector_store %arg2[%swap3A_19, %swap3A_20], %transpose3A_18 {strides = array<i32>} : memref<3200x128xf32, #tpu.memory_space<vmem>>, vector<128x128xf32>,
    %slice3A_22 = vector.extract_strided_slice %reshape3A {offsets = [0, 4, 0], sizes = [128, 1, 128], strides = [1, 1, 1]} : vector<128x25x128xf32> to vector<128x1x128xf32>
    %squeeze3A_23 = vector.shape_cast %slice3A_22 : vector<128x1x128xf32> to vector<128x128xf32>
    %transpose3A_24 = tpu.transpose %squeeze3A_23, [1, 0] : vector<128x128xf32> -> vector<128x128xf32>
    %swap3A_25 = arith.constant 512 : index
    %swap3A_26 = arith.constant 0 : index
    %swap3A_27 = vector.load %arg2[%swap3A_25, %swap3A_26] : memref<3200x128xf32, #tpu.memory_space<vmem>>, vector<128x128xf32>
    tpu.vector_store %arg2[%swap3A_25, %swap3A_26], %transpose3A_24 {strides = array<i32>} : memref<3200x128xf32, #tpu.memory_space<vmem>>, vector<128x128xf32>,
    %slice3A_28 = vector.extract_strided_slice %reshape3A {offsets = [0, 5, 0], sizes = [128, 1, 128], strides = [1, 1, 1]} : vector<128x25x128xf32> to vector<128x1x128xf32>
    %squeeze3A_29 = vector.shape_cast %slice3A_28 : vector<128x1x128xf32> to vector<128x128xf32>
    %transpose3A_30 = tpu.transpose %squeeze3A_29, [1, 0] : vector<128x128xf32> -> vector<128x128xf32>
    %swap3A_31 = arith.constant 640 : index
    %swap3A_32 = arith.constant 0 : index
    %swap3A_33 = vector.load %arg2[%swap3A_31, %swap3A_32] : memref<3200x128xf32, #tpu.memory_space<vmem>>, vector<128x128xf32>
    tpu.vector_store %arg2[%swap3A_31, %swap3A_32], %transpose3A_30 {strides = array<i32>} : memref<3200x128xf32, #tpu.memory_space<vmem>>, vector<128x128xf32>,
    %slice3A_34 = vector.extract_strided_slice %reshape3A {offsets = [0, 6, 0], sizes = [128, 1, 128], strides = [1, 1, 1]} : vector<128x25x128xf32> to vector<128x1x128xf32>
    %squeeze3A_35 = vector.shape_cast %slice3A_34 : vector<128x1x128xf32> to vector<128x128xf32>
    %transpose3A_36 = tpu.transpose %squeeze3A_35, [1, 0] : vector<128x128xf32> -> vector<128x128xf32>
    %swap3A_37 = arith.constant 768 : index
    %swap3A_38 = arith.constant 0 : index
    %swap3A_39 = vector.load %arg2[%swap3A_37, %swap3A_38] : memref<3200x128xf32, #tpu.memory_space<vmem>>, vector<128x128xf32>
    tpu.vector_store %arg2[%swap3A_37, %swap3A_38], %transpose3A_36 {strides = array<i32>} : memref<3200x128xf32, #tpu.memory_space<vmem>>, vector<128x128xf32>,
    %slice3A_40 = vector.extract_strided_slice %reshape3A {offsets = [0, 7, 0], sizes = [128, 1, 128], strides = [1, 1, 1]} : vector<128x25x128xf32> to vector<128x1x128xf32>
    %squeeze3A_41 = vector.shape_cast %slice3A_40 : vector<128x1x128xf32> to vector<128x128xf32>
    %transpose3A_42 = tpu.transpose %squeeze3A_41, [1, 0] : vector<128x128xf32> -> vector<128x128xf32>
    %swap3A_43 = arith.constant 896 : index
    %swap3A_44 = arith.constant 0 : index
    %swap3A_45 = vector.load %arg2[%swap3A_43, %swap3A_44] : memref<3200x128xf32, #tpu.memory_space<vmem>>, vector<128x128xf32>
    tpu.vector_store %arg2[%swap3A_43, %swap3A_44], %transpose3A_42 {strides = array<i32>} : memref<3200x128xf32, #tpu.memory_space<vmem>>, vector<128x128xf32>,
    %slice3A_46 = vector.extract_strided_slice %reshape3A {offsets = [0, 8, 0], sizes = [128, 1, 128], strides = [1, 1, 1]} : vector<128x25x128xf32> to vector<128x1x128xf32>
    %squeeze3A_47 = vector.shape_cast %slice3A_46 : vector<128x1x128xf32> to vector<128x128xf32>
    %transpose3A_48 = tpu.transpose %squeeze3A_47, [1, 0] : vector<128x128xf32> -> vector<128x128xf32>
    %swap3A_49 = arith.constant 1024 : index
    %swap3A_50 = arith.constant 0 : index
    %swap3A_51 = vector.load %arg2[%swap3A_49, %swap3A_50] : memref<3200x128xf32, #tpu.memory_space<vmem>>, vector<128x128xf32>
    tpu.vector_store %arg2[%swap3A_49, %swap3A_50], %transpose3A_48 {strides = array<i32>} : memref<3200x128xf32, #tpu.memory_space<vmem>>, vector<128x128xf32>,
    %slice3A_52 = vector.extract_strided_slice %reshape3A {offsets = [0, 9, 0], sizes = [128, 1, 128], strides = [1, 1, 1]} : vector<128x25x128xf32> to vector<128x1x128xf32>
    %squeeze3A_53 = vector.shape_cast %slice3A_52 : vector<128x1x128xf32> to vector<128x128xf32>
    %transpose3A_54 = tpu.transpose %squeeze3A_53, [1, 0] : vector<128x128xf32> -> vector<128x128xf32>
    %swap3A_55 = arith.constant 1152 : index
    %swap3A_56 = arith.constant 0 : index
    %swap3A_57 = vector.load %arg2[%swap3A_55, %swap3A_56] : memref<3200x128xf32, #tpu.memory_space<vmem>>, vector<128x128xf32>
    tpu.vector_store %arg2[%swap3A_55, %swap3A_56], %transpose3A_54 {strides = array<i32>} : memref<3200x128xf32, #tpu.memory_space<vmem>>, vector<128x128xf32>,
    %slice3A_58 = vector.extract_strided_slice %reshape3A {offsets = [0, 10, 0], sizes = [128, 1, 128], strides = [1, 1, 1]} : vector<128x25x128xf32> to vector<128x1x128xf32>
    %squeeze3A_59 = vector.shape_cast %slice3A_58 : vector<128x1x128xf32> to vector<128x128xf32>
    %transpose3A_60 = tpu.transpose %squeeze3A_59, [1, 0] : vector<128x128xf32> -> vector<128x128xf32>
    %swap3A_61 = arith.constant 1280 : index
    %swap3A_62 = arith.constant 0 : index
    %swap3A_63 = vector.load %arg2[%swap3A_61, %swap3A_62] : memref<3200x128xf32, #tpu.memory_space<vmem>>, vector<128x128xf32>
    tpu.vector_store %arg2[%swap3A_61, %swap3A_62], %transpose3A_60 {strides = array<i32>} : memref<3200x128xf32, #tpu.memory_space<vmem>>, vector<128x128xf32>,
    %slice3A_64 = vector.extract_strided_slice %reshape3A {offsets = [0, 11, 0], sizes = [128, 1, 128], strides = [1, 1, 1]} : vector<128x25x128xf32> to vector<128x1x128xf32>
    %squeeze3A_65 = vector.shape_cast %slice3A_64 : vector<128x1x128xf32> to vector<128x128xf32>
    %transpose3A_66 = tpu.transpose %squeeze3A_65, [1, 0] : vector<128x128xf32> -> vector<128x128xf32>
    %swap3A_67 = arith.constant 1408 : index
    %swap3A_68 = arith.constant 0 : index
    %swap3A_69 = vector.load %arg2[%swap3A_67, %swap3A_68] : memref<3200x128xf32, #tpu.memory_space<vmem>>, vector<128x128xf32>
    tpu.vector_store %arg2[%swap3A_67, %swap3A_68], %transpose3A_66 {strides = array<i32>} : memref<3200x128xf32, #tpu.memory_space<vmem>>, vector<128x128xf32>,
    %slice3A_70 = vector.extract_strided_slice %reshape3A {offsets = [0, 12, 0], sizes = [128, 1, 128], strides = [1, 1, 1]} : vector<128x25x128xf32> to vector<128x1x128xf32>
    %squeeze3A_71 = vector.shape_cast %slice3A_70 : vector<128x1x128xf32> to vector<128x128xf32>
    %transpose3A_72 = tpu.transpose %squeeze3A_71, [1, 0] : vector<128x128xf32> -> vector<128x128xf32>
    %swap3A_73 = arith.constant 1536 : index
    %swap3A_74 = arith.constant 0 : index
    %swap3A_75 = vector.load %arg2[%swap3A_73, %swap3A_74] : memref<3200x128xf32, #tpu.memory_space<vmem>>, vector<128x128xf32>
    tpu.vector_store %arg2[%swap3A_73, %swap3A_74], %transpose3A_72 {strides = array<i32>} : memref<3200x128xf32, #tpu.memory_space<vmem>>, vector<128x128xf32>,
    %slice3A_76 = vector.extract_strided_slice %reshape3A {offsets = [0, 13, 0], sizes = [128, 1, 128], strides = [1, 1, 1]} : vector<128x25x128xf32> to vector<128x1x128xf32>
    %squeeze3A_77 = vector.shape_cast %slice3A_76 : vector<128x1x128xf32> to vector<128x128xf32>
    %transpose3A_78 = tpu.transpose %squeeze3A_77, [1, 0] : vector<128x128xf32> -> vector<128x128xf32>
    %swap3A_79 = arith.constant 1664 : index
    %swap3A_80 = arith.constant 0 : index
    %swap3A_81 = vector.load %arg2[%swap3A_79, %swap3A_80] : memref<3200x128xf32, #tpu.memory_space<vmem>>, vector<128x128xf32>
    tpu.vector_store %arg2[%swap3A_79, %swap3A_80], %transpose3A_78 {strides = array<i32>} : memref<3200x128xf32, #tpu.memory_space<vmem>>, vector<128x128xf32>,
    %slice3A_82 = vector.extract_strided_slice %reshape3A {offsets = [0, 14, 0], sizes = [128, 1, 128], strides = [1, 1, 1]} : vector<128x25x128xf32> to vector<128x1x128xf32>
    %squeeze3A_83 = vector.shape_cast %slice3A_82 : vector<128x1x128xf32> to vector<128x128xf32>
    %transpose3A_84 = tpu.transpose %squeeze3A_83, [1, 0] : vector<128x128xf32> -> vector<128x128xf32>
    %swap3A_85 = arith.constant 1792 : index
    %swap3A_86 = arith.constant 0 : index
    %swap3A_87 = vector.load %arg2[%swap3A_85, %swap3A_86] : memref<3200x128xf32, #tpu.memory_space<vmem>>, vector<128x128xf32>
    tpu.vector_store %arg2[%swap3A_85, %swap3A_86], %transpose3A_84 {strides = array<i32>} : memref<3200x128xf32, #tpu.memory_space<vmem>>, vector<128x128xf32>,
    %slice3A_88 = vector.extract_strided_slice %reshape3A {offsets = [0, 15, 0], sizes = [128, 1, 128], strides = [1, 1, 1]} : vector<128x25x128xf32> to vector<128x1x128xf32>
    %squeeze3A_89 = vector.shape_cast %slice3A_88 : vector<128x1x128xf32> to vector<128x128xf32>
    %transpose3A_90 = tpu.transpose %squeeze3A_89, [1, 0] : vector<128x128xf32> -> vector<128x128xf32>
    %swap3A_91 = arith.constant 1920 : index
    %swap3A_92 = arith.constant 0 : index
    %swap3A_93 = vector.load %arg2[%swap3A_91, %swap3A_92] : memref<3200x128xf32, #tpu.memory_space<vmem>>, vector<128x128xf32>
    tpu.vector_store %arg2[%swap3A_91, %swap3A_92], %transpose3A_90 {strides = array<i32>} : memref<3200x128xf32, #tpu.memory_space<vmem>>, vector<128x128xf32>,
    %slice3A_94 = vector.extract_strided_slice %reshape3A {offsets = [0, 16, 0], sizes = [128, 1, 128], strides = [1, 1, 1]} : vector<128x25x128xf32> to vector<128x1x128xf32>
    %squeeze3A_95 = vector.shape_cast %slice3A_94 : vector<128x1x128xf32> to vector<128x128xf32>
    %transpose3A_96 = tpu.transpose %squeeze3A_95, [1, 0] : vector<128x128xf32> -> vector<128x128xf32>
    %swap3A_97 = arith.constant 2048 : index
    %swap3A_98 = arith.constant 0 : index
    %swap3A_99 = vector.load %arg2[%swap3A_97, %swap3A_98] : memref<3200x128xf32, #tpu.memory_space<vmem>>, vector<128x128xf32>
    tpu.vector_store %arg2[%swap3A_97, %swap3A_98], %transpose3A_96 {strides = array<i32>} : memref<3200x128xf32, #tpu.memory_space<vmem>>, vector<128x128xf32>,
    %slice3A_100 = vector.extract_strided_slice %reshape3A {offsets = [0, 17, 0], sizes = [128, 1, 128], strides = [1, 1, 1]} : vector<128x25x128xf32> to vector<128x1x128xf32>
    %squeeze3A_101 = vector.shape_cast %slice3A_100 : vector<128x1x128xf32> to vector<128x128xf32>
    %transpose3A_102 = tpu.transpose %squeeze3A_101, [1, 0] : vector<128x128xf32> -> vector<128x128xf32>
    %swap3A_103 = arith.constant 2176 : index
    %swap3A_104 = arith.constant 0 : index
    %swap3A_105 = vector.load %arg2[%swap3A_103, %swap3A_104] : memref<3200x128xf32, #tpu.memory_space<vmem>>, vector<128x128xf32>
    tpu.vector_store %arg2[%swap3A_103, %swap3A_104], %transpose3A_102 {strides = array<i32>} : memref<3200x128xf32, #tpu.memory_space<vmem>>, vector<128x128xf32>,
    %slice3A_106 = vector.extract_strided_slice %reshape3A {offsets = [0, 18, 0], sizes = [128, 1, 128], strides = [1, 1, 1]} : vector<128x25x128xf32> to vector<128x1x128xf32>
    %squeeze3A_107 = vector.shape_cast %slice3A_106 : vector<128x1x128xf32> to vector<128x128xf32>
    %transpose3A_108 = tpu.transpose %squeeze3A_107, [1, 0] : vector<128x128xf32> -> vector<128x128xf32>
    %swap3A_109 = arith.constant 2304 : index
    %swap3A_110 = arith.constant 0 : index
    %swap3A_111 = vector.load %arg2[%swap3A_109, %swap3A_110] : memref<3200x128xf32, #tpu.memory_space<vmem>>, vector<128x128xf32>
    tpu.vector_store %arg2[%swap3A_109, %swap3A_110], %transpose3A_108 {strides = array<i32>} : memref<3200x128xf32, #tpu.memory_space<vmem>>, vector<128x128xf32>,
    %slice3A_112 = vector.extract_strided_slice %reshape3A {offsets = [0, 19, 0], sizes = [128, 1, 128], strides = [1, 1, 1]} : vector<128x25x128xf32> to vector<128x1x128xf32>
    %squeeze3A_113 = vector.shape_cast %slice3A_112 : vector<128x1x128xf32> to vector<128x128xf32>
    %transpose3A_114 = tpu.transpose %squeeze3A_113, [1, 0] : vector<128x128xf32> -> vector<128x128xf32>
    %swap3A_115 = arith.constant 2432 : index
    %swap3A_116 = arith.constant 0 : index
    %swap3A_117 = vector.load %arg2[%swap3A_115, %swap3A_116] : memref<3200x128xf32, #tpu.memory_space<vmem>>, vector<128x128xf32>
    tpu.vector_store %arg2[%swap3A_115, %swap3A_116], %transpose3A_114 {strides = array<i32>} : memref<3200x128xf32, #tpu.memory_space<vmem>>, vector<128x128xf32>,
    %slice3A_118 = vector.extract_strided_slice %reshape3A {offsets = [0, 20, 0], sizes = [128, 1, 128], strides = [1, 1, 1]} : vector<128x25x128xf32> to vector<128x1x128xf32>
    %squeeze3A_119 = vector.shape_cast %slice3A_118 : vector<128x1x128xf32> to vector<128x128xf32>
    %transpose3A_120 = tpu.transpose %squeeze3A_119, [1, 0] : vector<128x128xf32> -> vector<128x128xf32>
    %swap3A_121 = arith.constant 2560 : index
    %swap3A_122 = arith.constant 0 : index
    %swap3A_123 = vector.load %arg2[%swap3A_121, %swap3A_122] : memref<3200x128xf32, #tpu.memory_space<vmem>>, vector<128x128xf32>
    tpu.vector_store %arg2[%swap3A_121, %swap3A_122], %transpose3A_120 {strides = array<i32>} : memref<3200x128xf32, #tpu.memory_space<vmem>>, vector<128x128xf32>,
    %slice3A_124 = vector.extract_strided_slice %reshape3A {offsets = [0, 21, 0], sizes = [128, 1, 128], strides = [1, 1, 1]} : vector<128x25x128xf32> to vector<128x1x128xf32>
    %squeeze3A_125 = vector.shape_cast %slice3A_124 : vector<128x1x128xf32> to vector<128x128xf32>
    %transpose3A_126 = tpu.transpose %squeeze3A_125, [1, 0] : vector<128x128xf32> -> vector<128x128xf32>
    %swap3A_127 = arith.constant 2688 : index
    %swap3A_128 = arith.constant 0 : index
    %swap3A_129 = vector.load %arg2[%swap3A_127, %swap3A_128] : memref<3200x128xf32, #tpu.memory_space<vmem>>, vector<128x128xf32>
    tpu.vector_store %arg2[%swap3A_127, %swap3A_128], %transpose3A_126 {strides = array<i32>} : memref<3200x128xf32, #tpu.memory_space<vmem>>, vector<128x128xf32>,
    %slice3A_130 = vector.extract_strided_slice %reshape3A {offsets = [0, 22, 0], sizes = [128, 1, 128], strides = [1, 1, 1]} : vector<128x25x128xf32> to vector<128x1x128xf32>
    %squeeze3A_131 = vector.shape_cast %slice3A_130 : vector<128x1x128xf32> to vector<128x128xf32>
    %transpose3A_132 = tpu.transpose %squeeze3A_131, [1, 0] : vector<128x128xf32> -> vector<128x128xf32>
    %swap3A_133 = arith.constant 2816 : index
    %swap3A_134 = arith.constant 0 : index
    %swap3A_135 = vector.load %arg2[%swap3A_133, %swap3A_134] : memref<3200x128xf32, #tpu.memory_space<vmem>>, vector<128x128xf32>
    tpu.vector_store %arg2[%swap3A_133, %swap3A_134], %transpose3A_132 {strides = array<i32>} : memref<3200x128xf32, #tpu.memory_space<vmem>>, vector<128x128xf32>,
    %slice3A_136 = vector.extract_strided_slice %reshape3A {offsets = [0, 23, 0], sizes = [128, 1, 128], strides = [1, 1, 1]} : vector<128x25x128xf32> to vector<128x1x128xf32>
    %squeeze3A_137 = vector.shape_cast %slice3A_136 : vector<128x1x128xf32> to vector<128x128xf32>
    %transpose3A_138 = tpu.transpose %squeeze3A_137, [1, 0] : vector<128x128xf32> -> vector<128x128xf32>
    %swap3A_139 = arith.constant 2944 : index
    %swap3A_140 = arith.constant 0 : index
    %swap3A_141 = vector.load %arg2[%swap3A_139, %swap3A_140] : memref<3200x128xf32, #tpu.memory_space<vmem>>, vector<128x128xf32>
    tpu.vector_store %arg2[%swap3A_139, %swap3A_140], %transpose3A_138 {strides = array<i32>} : memref<3200x128xf32, #tpu.memory_space<vmem>>, vector<128x128xf32>,
    %slice3A_142 = vector.extract_strided_slice %reshape3A {offsets = [0, 24, 0], sizes = [128, 1, 128], strides = [1, 1, 1]} : vector<128x25x128xf32> to vector<128x1x128xf32>
    %squeeze3A_143 = vector.shape_cast %slice3A_142 : vector<128x1x128xf32> to vector<128x128xf32>
    %transpose3A_144 = tpu.transpose %squeeze3A_143, [1, 0] : vector<128x128xf32> -> vector<128x128xf32>
    %swap3A_145 = arith.constant 3072 : index
    %swap3A_146 = arith.constant 0 : index
    %swap3A_147 = vector.load %arg2[%swap3A_145, %swap3A_146] : memref<3200x128xf32, #tpu.memory_space<vmem>>, vector<128x128xf32>
    tpu.vector_store %arg2[%swap3A_145, %swap3A_146], %transpose3A_144 {strides = array<i32>} : memref<3200x128xf32, #tpu.memory_space<vmem>>, vector<128x128xf32>,
    return
  }
  func.func @transform_0(%arg0: i32) -> (i32, i32) {
    %c0_i32 = arith.constant 0 : i32
    %c0_i32_0 = arith.constant 0 : i32
    return %arg0, %c0_i32 : i32, i32
  }
  func.func @transform_1(%arg0: i32) -> (i32, i32) {
    %c0_i32 = arith.constant 0 : i32
    %c0_i32_0 = arith.constant 0 : i32
    return %c0_i32, %arg0 : i32, i32
  }
}

</mosaic_0001>

<sc_bundles>
// kernel: kernel.5.cloned.1.call-start
scs
__scs_entry_jumppad:
0x0: {  	(pc) =	sbr.rel $0x88, $3  }
0x1: {  	(tag) =	ssettag $0x0;
	lr =	simm.s32 $0x1  }
0x2: {  	[smem:$0x3F9F] =	sst lr;
	_ =	strace $0xD0000000  }
0x3: {  	_ = 	snop  }
0x4: {  	_ = 	snop  }
0x5: {  	_ = 	snop  }
0x6: {  	_ = 	snop  }
0x7: {  	_ = 	snop  }
__scs_overlays_trampoline_lowered:
0x8: {  	[smem:$0x3FAE] =	sst s0  }
0x9: {  	[smem:$0x3FAF] =	sst s1  }
0xa: {  	[smem:$0x3FB0] =	sst s2  }
0xb: {  	[smem:$0x3FB1] =	sst s3  }
0xc: {  	[smem:$0x3FB2] =	sst s4  }
0xd: {  	[smem:$0x3FB3] =	sst s5  }
0xe: {  	[smem:$0x3FB4] =	sst s6  }
0xf: {  	[smem:$0x3FB5] =	sst s7  }
0x10: {  	[smem:$0x3FB6] =	sst s8  }
0x11: {  	[smem:$0x3FB7] =	sst s9;
	s0 =	simm.s32 @!p0 $0x0  }
0x12: {  	s1 =	sld [smem:$0x3F9D];
	s0 =	simm.s32 @p0 $0x1  }
0x13: {  	[smem:$0x3FB8] =	sst s0;
	s0 =	simm.s32 @!p1 $0x0  }
0x14: {  	s2 =	sld [smem:$0x3F9C];
	s0 =	simm.s32 @p1 $0x1  }
0x15: {  	[smem:$0x3FB9] =	sst s0;
	s0 =	simm.s32 @!p2 $0x0  }
0x16: {  	s3 =	sld [smem:$0x3FDB];
	s0 =	simm.s32 @p2 $0x1  }
0x17: {  	s4 =	simm.s32 $0x1BF5;
	[smem:$0x3FBB] =	sst s0  }
0x18: {  	s0 =	sld [smem:$0x3F9E];
	_ =	swait.ge [sflag:s4], $0x0  }
0x19: {  	s7 =	sld [smem:$0x3F9F]  }
0x1a: {  	s8 =	sadd.s32 $0xFFFFE003, lr  }
0x1b: {  	s9 =	sadd.s32 $0xFFFFFEF7, lr;
	s5 =	simm.s32 $0xFFFFFFFF;
	p2 =	slt.u32 s8, $0xFFFFF086  }
0x1c: {  	p1 =	slt.u32 s9, $0xF7A;
	s5 =	simm.s32 @!p2 $0x0  }
0x1d: {  	s5 =	simm.s32 @p1 $0x1;
	p0 =	seq.s32 s7, s2  }
0x1e: {  	s7 =	smul.u32 @!p0 $0xF7A, s2;
	p2 =	seq.s32 @!p0 s5, $0x0  }
0x1f: {  	s9 =	smul.u32 $0xF7A, s1;
	s8 =	simm.s32 @!p0 $0x1BF5;
	p2 =	por !p2, p0  }
0x20: {  	[sflag:s8] =	ssyncset.s32 @!p0 $0xFFFFF086;
	s6 =	sadd.s32 @!p0 s3, s7;
	s7 =	simm.s32 @!p0 $0x108  }
0x21: {  	s3 =	sadd.s32 s3, s9;
	s6 =	sadd.s32 @!p0 $0x88, s6;
	s7 =	simm.s32 @p2 $0x1082  }
0x22: {  	[simem:s7], [sflag:s8] =	dma.local @!p0 [hbm:s6], $0xF7A  }
0x23: {  	s9 =	sor.u32 $0xD0000000, s2;
	s6 =	simm.s32 $0x108;
	_ =	swait.ge @!p0 [sflag:s8], $0x0  }
0x24: {  	s3 =	sadd.s32 $0x88, s3;
	s6 =	simm.s32 @!p1 $0x1082;
	[sflag:s4] =	ssyncset.s32 $0xFFFFF086  }
0x25: {  	[simem:s6], [sflag:s4] =	dma.local [hbm:s3], $0xF7A  }
0x26: {  	[smem:$0x3F9F] =	sst s1;
	(tag) =	ssettag s2;
	_ =	strace s9  }
0x27: {  	s1 =	sld [smem:$0x3FAF]  }
0x28: {  	s2 =	sld [smem:$0x3FB0]  }
0x29: {  	s4 =	sld [smem:$0x3FB2]  }
0x2a: {  	p0 =	seq.s32 s5, $0x0;
	s5 =	sld [smem:$0x3FB3]  }
0x2b: {  	s6 =	sld [smem:$0x3FB4]  }
0x2c: {  	s7 =	sld [smem:$0x3FB5]  }
0x2d: {  	s3 =	simm.s32 $0x108;
	s8 =	sld [smem:$0x3FB6]  }
0x2e: {  	s3 =	simm.s32 @!p0 $0x1082;
	s9 =	sld [smem:$0x3FB7]  }
0x2f: {  	lr =	sadd.s32 s0, s3;
	s0 =	sld [smem:$0x3FAE]  }
0x30: {  	s3 =	sld [smem:$0x3FB1]  }
0x31: {  	[smem:$0x3FBA] =	sst s10  }
0x32: {  	s10 =	sld [smem:$0x3FB8];
	_ =	sdelay $0x3  }
0x33: {  	p0 =	seq.s32 s10, $0x1;
	s10 =	sld [smem:$0x3FBA];
	_ =	sdelay $0x3  }
0x34: {  	[smem:$0x3FBA] =	sst s10  }
0x35: {  	s10 =	sld [smem:$0x3FB9];
	_ =	sdelay $0x3  }
0x36: {  	p1 =	seq.s32 s10, $0x1;
	s10 =	sld [smem:$0x3FBA];
	_ =	sdelay $0x3  }
0x37: {  	[smem:$0x3FBA] =	sst s10  }
0x38: {  	s10 =	sld [smem:$0x3FBB]  }
0x39: {  	_ = 	snop;
	(pc) =	sbr.ind lr, $3  }
0x3a: {  	_ = 	snop  }
0x3b: {  	_ = 	snop  }
0x3c: {  	p2 =	seq.s32 s10, $0x1;
	s10 =	sld [smem:$0x3FBA]  }
0x3d: {  	_ =	shalt  }
0x3e: {  	_ =	shalt  }
0x3f: {  	_ =	shalt  }
0x40: {  	_ =	shalt  }
0x41: {  	_ =	shalt  }
0x42: {  	_ =	shalt  }
0x43: {  	_ =	shalt  }
0x44: {  	_ =	shalt  }
0x45: {  	_ =	shalt  }
0x46: {  	_ =	shalt  }
0x47: {  	_ =	shalt  }
0x48: {  	_ =	shalt  }
0x49: {  	_ =	shalt  }
0x4a: {  	_ =	shalt  }
0x4b: {  	_ =	shalt  }
0x4c: {  	_ =	shalt  }
0x4d: {  	_ =	shalt  }
0x4e: {  	_ =	shalt  }
0x4f: {  	_ =	shalt  }
0x50: {  	_ =	shalt  }
0x51: {  	_ =	shalt  }
0x52: {  	_ =	shalt  }
0x53: {  	_ =	shalt  }
0x54: {  	_ =	shalt  }
0x55: {  	_ =	shalt  }
0x56: {  	_ =	shalt  }
0x57: {  	_ =	shalt  }
0x58: {  	_ =	shalt  }
0x59: {  	_ =	shalt  }
0x5a: {  	_ =	shalt  }
0x5b: {  	_ =	shalt  }
0x5c: {  	_ =	shalt  }
0x5d: {  	_ =	shalt  }
0x5e: {  	_ =	shalt  }
0x5f: {  	_ =	shalt  }
0x60: {  	_ =	shalt  }
0x61: {  	_ =	shalt  }
0x62: {  	_ =	shalt  }
0x63: {  	_ =	shalt  }
0x64: {  	_ =	shalt  }
0x65: {  	_ =	shalt  }
0x66: {  	_ =	shalt  }
0x67: {  	_ =	shalt  }
0x68: {  	_ =	shalt  }
0x69: {  	_ =	shalt  }
0x6a: {  	_ =	shalt  }
0x6b: {  	_ =	shalt  }
0x6c: {  	_ =	shalt  }
0x6d: {  	_ =	shalt  }
0x6e: {  	_ =	shalt  }
0x6f: {  	_ =	shalt  }
0x70: {  	_ =	shalt  }
0x71: {  	_ =	shalt  }
0x72: {  	_ =	shalt  }
0x73: {  	_ =	shalt  }
0x74: {  	_ =	shalt  }
0x75: {  	_ =	shalt  }
0x76: {  	_ =	shalt  }
0x77: {  	_ =	shalt  }
0x78: {  	_ =	shalt  }
0x79: {  	_ =	shalt  }
0x7a: {  	_ =	shalt  }
0x7b: {  	_ =	shalt  }
0x7c: {  	_ =	shalt  }
0x7d: {  	_ =	shalt  }
0x7e: {  	_ =	shalt  }
0x7f: {  	_ =	shalt  }
0x80: {  	_ =	shalt  }
0x81: {  	_ =	shalt  }
0x82: {  	_ =	shalt  }
0x83: {  	_ =	shalt  }
0x84: {  	_ =	shalt  }
0x85: {  	_ =	shalt  }
0x86: {  	_ =	shalt  }
0x87: {  	_ =	shalt  }
.Lfunc_end0:
.L_simem_size_0:
called_computation_lowered:
.L_overlay_start_0:
0x88: {  	s2 =	sld [smem:$0x3FD9]  }
0x89: {  	s3 =	sld [smem:$0x3FFE];
	_ =	sdelay $0x1  }
0x8a: {  	s1 =	srdreg.scid  }
0x8b: {  	s0 =	sand.u32 $0x1, s1  }
0x8c: {  	s17 =	sshll.u32 s0, $0xA;
	s2 =	sadd.s32 s3, s2  }
0x8d: {  	s2 =	sadd.s32 s2, s17  }
0x8e: {  	[smem:$0x3FC6] =	sst s2  }
0x8f: {  	_ = 	snop  }
0x90: {  	s2 =	sld [smem:$0x3FD0];
	(tm) =	ssettm $0x1  }
0x91: {  	s18 =	sld [smem:$0x3FFB];
	_ =	sdelay $0x3  }
0x92: {  	_ =	strace s18  }
0x93: {  	s3 =	sld [smem:$0x3FFC];
	_ =	sdelay $0x3  }
0x94: {  	_ =	strace s3  }
0x95: {  	s3 =	sld [smem:$0x3FFD];
	_ =	sdelay $0x3  }
0x96: {  	_ =	strace s3  }
0x97: {  	_ =	strace $0x8FFFFFFF  }
0x98: {  	s19 =	sld [smem:$0x3FDB];
	_ =	sdelay $0x1  }
0x99: {  	s4 =	simm.s32 $_scs_section_size  }
0x9a: {  	s5 =	simm.s32 $_size__tile_overlayer_lowered;
	s6 =	simm.s32 $_tile_overlayer_lowered  }
0x9b: {  	s22 =	simm.s32 $0x1BFF;
	s21 =	sshll.u32 s6, $0x1;
	s3 =	sadd.s32 s4, s19  }
0x9c: {  	s7 =	simm.s32 $0x0;
	s20 =	sshll.u32 s5, $0x1;
	s5 =	sadd.s32 s21, s3  }
0x9d: {  	[timem:s7], [sflag:s22] =	dma.local [hbm:s5], s20  }
0x9e: {  	_ =	swait.ge [sflag:s22], s20  }
0x9f: {  	s4 =	ssub.s32 $0x0, s20;
	[sflag:s22] =	ssyncset.done $0x0  }
0xa0: {  	[sflag:s22] =	ssyncadd.s32 s4;
	_ =	sdelay $0x1  }
0xa1: {  	s23 =	simm.s32 $0x1B8B  }
0xa2: {  	_ =	swait.ge [sflag:s23], $0x1  }
0xa3: {  	[sflag:s23] =	ssyncset.done $0x0  }
0xa4: {  	s25 =	simm.s32 $0x1B8E;
	s24 =	sld [smem:$0x3FFE];
	[sflag:s23] =	ssyncadd.s32 $0xFFFFFFFF  }
0xa5: {  	s26 =	simm.s32 $execute0_lowered;
	[smem:$0x3FD2] =	sst s25  }
0xa6: {  	s5 =	sshll.u32 s26, $0x1;
	_ =	strace $0x80000046;
	[dreg:$0x1] =	wrdreg $0xFFFFFFFF  }
0xa7: {  	s28 =	simm.s32 $_size_execute0_lowered;
	s3 =	sadd.s32 s3, s5;
	[dreg:$0x0] =	wrdreg $0x0  }
0xa8: {  	s5 =	sshll.u32 s28, $0x1;
	[dreg:$0x2] =	wrdreg s3  }
0xa9: {  	[dreg:$0x3] =	wrdreg s5  }
0xaa: {  	[dreg:$0x4] =	wrdreg $0xC0  }
0xab: {  	_ =	task [dreg:s7], $0x5FFFF  }
0xac: {  	[dreg:$0x1] =	wrdreg $0xFFFFFFFF  }
0xad: {  	[dreg:$0x0] =	wrdreg $0x60  }
0xae: {  	[dreg:$0x2] =	wrdreg s24  }
0xaf: {  	[dreg:$0x3] =	wrdreg s2  }
0xb0: {  	[dreg:$0x4] =	wrdreg $0x9  }
0xb1: {  	_ =	task.clear_ibuf [dreg:s7], $0x5FFFF;
	_ =	strace $0x90000046  }
0xb2: {  	s29 =	simm.s32 $0x9;
	_ =	strace $0x80000048  }
0xb3: {  	_ =	swait.ge [sflag:s29], $0x1  }
0xb4: {  	[sflag:s29] =	ssyncadd.s32 $0xFFFFFFFF  }
0xb5: {  	_ =	strace $0x90000048  }
0xb6: {  	_ =	sfence  }
0xb7: {  	s30 =	sld [smem:$0x0];
	_ =	sdelay $0x2  }
0xb8: {  	s31 =	sshll.u32 s1, $0xD;
	s1 =	sshrl.u32 s1, $0x2  }
0xb9: {  	s3 =	sand.u32 $0x4000, s31;
	s1 =	sadd.s32 s1, s30  }
0xba: {  	s0 =	sor.u32 s3, s0;
	s1 =	sshll.u32 s1, $0x11  }
0xbb: {  	s0 =	sor.u32 s1, s0  }
0xbc: {  	s0 =	sadd.s32 $0x8F2B, s0  }
0xbd: {  	[sflag:s0] =	ssyncadd.remote.s32 $0x1  }
0xbe: {  	_ =	sfence.sel $0xFFFF  }
0xbf: {  	[dreg:$0x0] =	wrdreg $0xFFFFFFFF;
	(pc) =	sbr.abs _section_cstart, $3  }
0xc0: {  	[dreg:$0x1] =	wrdreg $0xFFFFFFFF  }
0xc1: {  	_ =	task.clear_ibuf [dreg:s7], $0x2FFFF;
	_ =	strace $0x9FFFFFFF  }
0xc2: {  	(tm) =	ssettm $0x7FFFFFFF  }
0xc3: {  	_ =	shalt  }
tec
execute0_lowered:
.L_overlay_start_1:
0x0: {  	(tag) =	ssettag $0x1  }
0x1: {  	s1 =	srdreg.scid  }
0x2: {  	s0 =	stileid.u32;
	s4 =	rddreg [dreg:$0x0]  }
0x3: {  	s6 =	rddreg [dreg:$0x1];
	s2 =	simm.s32 $0x0;
	s14 =	simm.s32 $0x1  }
0x4: {  	s15 =	simm.s32 $0x3;
	s16 =	simm.s32 $0x2;
	s17 =	simm.s32 $0x4  }
0x5: {  	s18 =	simm.s32 $0x0;
	s5 =	sand.u32 $0x1, s1;
	s1 =	rddreg [dreg:$0x2]  }
0x6: {  	s25 =	sshll.u32 s0, $0x1;
	[smem:$0x7FF] =	sst s2;
	s11 =	smul.u32 $0xC800, s0  }
0x7: {  	s7 =	sor.u32 s5, s25;
	s10 =	ssub.s32 $0x2, s5;
	s5 =	smul.u32 $0x6400, s5  }
0x8: {  	s3 =	sadd.s32 $0x400, s4;
	s13 =	sadd.s32 $0x7A1600, s4;
	s8 =	smul.u32 $0x6400, s7  }
0x9: {  	_ =	strace $0x80000047;
	s9 =	smul.u32 $0x190000, s7;
	s12 =	sshrl.u32 s10, $0x1  }
0xa: {  	s7 =	smul.u32 $0x32000, s7;
	s10 =	ssub.s32 s10, s12;
	s5 =	sadd.s32 s5, s11  }
0xb: {  	s11 =	simm.s32 $0x200;
	s12 =	simm.s32 $0x6400;
	s26 =	sshrl.u32 s8, $0x3  }
0xc: {  	s28 =	sshrl.u32 s9, $0x3;
	s30 =	sshll.u32 s5, $0x3;
	s5 =	sadd.s32 s13, s7  }
0xd: {  	s7 =	smax.u32 s10, $0x1;
	s10 =	simm.s32 $0x5;
	s4 =	sadd.s32 s6, s26  }
0xe: {  	s29 =	sadd.s32 s13, s28;
	s31 =	sadd.s32 s13, s30;
	s13 =	simm.s32 $0xE400  }
0xf: {  	s6 =	sadd.s32 $0x31000, s29;
	s8 =	sadd.s32 $0x1000, s31;
	s9 =	sadd.s32 $0x2000, s31  }
.LBB2_1:
0x10: {  	[tilespmem:s2], [sflag:$0x5] =	stream.linear.gather [hbm4b:s4+s2], $0x6400, $0x38;
	[tilespmem:$0x16400] =	vst v63  }
0x11: {  	_ =	swait.ge [sflag:s10], $0x6400  }
0x12: {  	[sflag:s10] =	ssyncset.done $0x0  }
0x13: {  	[sflag:s10] =	ssyncadd.s32 $0xFFFF9C00  }
0x14: {  	[tilespmem:s12], [sflag:$0x1] =	stream.indirect.gather [hbm4b:s3+s11], $0x40, s2, s11, $0xb8;
	[tilespmem:$0x16400] =	vst v63  }
0x15: {  	_ = 	snop  }
0x16: {  	[tilespmem:s13], [sflag:$0x2] =	stream.indirect.gather [hbm4b:s3+s11], $0x40, s11, s11, $0xb8;
	[tilespmem:$0x16400] =	vst v63  }
0x17: {  	_ =	swait.ge [sflag:s14], $0x8000  }
0x18: {  	[sflag:s14] =	ssyncset.done $0x0  }
0x19: {  	[sflag:s14] =	ssyncadd.s32 $0xFFFF8000  }
0x1a: {  	[hbm4b:s5+s2] =	stream.linear.scatter [tilespmem:s12], [sflag:$0x3], $0x8000, $0x38;
	[tilespmem:$0x16400] =	vst v63  }
0x1b: {  	_ =	swait.ge [sflag:s15], $0x8000  }
0x1c: {  	[sflag:s15] =	ssyncset.done $0x0  }
0x1d: {  	s19 =	simm.s32 $0x400;
	[sflag:s15] =	ssyncadd.s32 $0xFFFF8000  }
0x1e: {  	[tilespmem:s12], [sflag:$0x1] =	stream.indirect.gather [hbm4b:s3+s11], $0x40, s19, s11, $0xb8;
	[tilespmem:$0x16400] =	vst v63  }
0x1f: {  	_ =	swait.ge [sflag:s16], $0x8000  }
0x20: {  	[sflag:s16] =	ssyncset.done $0x0  }
0x21: {  	s30 =	sadd.s32 $0x0, s8;
	[sflag:s16] =	ssyncadd.s32 $0xFFFF8000  }
0x22: {  	[hbm4b:s30+s2] =	stream.linear.scatter [tilespmem:s13], [sflag:$0x4], $0x8000, $0x38;
	[tilespmem:$0x16400] =	vst v63  }
0x23: {  	_ =	swait.ge [sflag:s17], $0x8000  }
0x24: {  	[sflag:s17] =	ssyncset.done $0x0  }
0x25: {  	s31 =	simm.s32 $0x600;
	[sflag:s17] =	ssyncadd.s32 $0xFFFF8000  }
0x26: {  	[tilespmem:s13], [sflag:$0x2] =	stream.indirect.gather [hbm4b:s3+s11], $0x40, s31, s11, $0xb8;
	[tilespmem:$0x16400] =	vst v63  }
0x27: {  	_ =	swait.ge [sflag:s14], $0x8000  }
0x28: {  	s21 =	sadd.s32 $0x0, s9;
	[sflag:s14] =	ssyncset.done $0x0  }
0x29: {  	s20 =	simm.s32 $0xA00;
	s19 =	simm.s32 $0x2000;
	[sflag:s14] =	ssyncadd.s32 $0xFFFF8000  }
.LBB2_2:
0x2a: {  	[hbm4b:s21+s2] =	stream.linear.scatter [tilespmem:s12], [sflag:$0x3], $0x8000, $0x38;
	[tilespmem:$0x16400] =	vst v63  }
0x2b: {  	s21 =	smov.u32 s19  }
0x2c: {  	p0 =	sne.s32 s19, $0x2E000;
	s19 =	sadd.s32 $0x2000, s19;
	_ =	swait.ge [sflag:s15], $0x8000  }
0x2d: {  	[sflag:s15] =	ssyncset.done $0x0  }
0x2e: {  	s22 =	sadd.s32 $0xFFFFFE00, s20;
	[sflag:s15] =	ssyncadd.s32 $0xFFFF8000  }
0x2f: {  	[tilespmem:s12], [sflag:$0x1] =	stream.indirect.gather [hbm4b:s3+s11], $0x40, s22, s11, $0xb8;
	[tilespmem:$0x16400] =	vst v63  }
0x30: {  	_ =	swait.ge [sflag:s16], $0x8000  }
0x31: {  	[sflag:s16] =	ssyncset.done $0x0  }
0x32: {  	s22 =	sadd.s32 s21, s8;
	[sflag:s16] =	ssyncadd.s32 $0xFFFF8000  }
0x33: {  	[hbm4b:s22+s2] =	stream.linear.scatter [tilespmem:s13], [sflag:$0x4], $0x8000, $0x38;
	[tilespmem:$0x16400] =	vst v63  }
0x34: {  	_ =	swait.ge [sflag:s17], $0x8000  }
0x35: {  	[sflag:s17] =	ssyncset.done $0x0  }
.Ltmp0:
0x36: {  	[sflag:s17] =	ssyncadd.s32 $0xFFFF8000;
	(pc) =	sbr.rel @p0 .LBB2_2-.Ltmp0, $4  }
0x37: {  	[tilespmem:s13], [sflag:$0x2] =	stream.indirect.gather [hbm4b:s3+s11], $0x40, s20, s11, $0xb8;
	[tilespmem:$0x16400] =	vst v63  }
0x38: {  	_ =	swait.ge [sflag:s14], $0x8000  }
0x39: {  	[sflag:s14] =	ssyncset.done $0x0  }
0x3a: {  	s21 =	sadd.s32 s21, s9;
	s20 =	sadd.s32 $0x400, s20;
	[sflag:s14] =	ssyncadd.s32 $0xFFFF8000  }
0x3b: {  	[hbm4b:s21+s2] =	stream.linear.scatter [tilespmem:s12], [sflag:$0x3], $0x8000, $0x38;
	[tilespmem:$0x16400] =	vst v63  }
0x3c: {  	_ =	swait.ge [sflag:s16], $0x8000  }
0x3d: {  	[sflag:s16] =	ssyncset.done $0x0  }
0x3e: {  	s18 =	sadd.s32 $0x1, s18;
	[sflag:s16] =	ssyncadd.s32 $0xFFFF8000  }
0x3f: {  	[hbm4b:s6+s2] =	stream.linear.scatter [tilespmem:s13], [sflag:$0x4], $0x8000, $0x38;
	[tilespmem:$0x16400] =	vst v63  }
0x40: {  	p0 =	sne.s32 s18, s7;
	_ =	swait.ge [sflag:s15], $0x8000  }
.Ltmp1:
0x41: {  	[sflag:s15] =	ssyncset.done $0x0;
	(pc) =	sbr.rel @p0 .LBB2_1-.Ltmp1, $4  }
0x42: {  	[sflag:s15] =	ssyncadd.s32 $0xFFFF8000  }
0x43: {  	_ =	swait.ge [sflag:s17], $0x8000  }
0x44: {  	[sflag:s17] =	ssyncset.done $0x0  }
0x45: {  	[sflag:s17] =	ssyncadd.s32 $0xFFFF8000  }
0x46: {  	_ =	sfence.sel $0x180000  }
0x47: {  	[bflag:$0x0] =	sbarrier.arrive $0xFFFF  }
0x48: {  	p0 =	sne.s32 s0, $0x0;
	_ =	strace $0x90000047  }
0x49: {  	s0 =	sadd.s32 @!p0 $0x100000, s1;
	[bflag:$0x2] =	sbarrier.arrive $0xFFFF  }
0x4a: {  	[sflag:s0] =	ssyncadd.tile.s32 @!p0 $0x1;
	_ =	shalt  }
.Lfunc_end2:
_tile_overlayer_lowered:
.L_overlay_start_2:
0x4b: {  	(tag) =	ssettag $0x2  }
0x4c: {  	s0 =	rddreg [dreg:$0x0];
	s2 =	stileid.u32  }
0x4d: {  	s1 =	rddreg [dreg:$0x1];
	p0 =	sne.s32 s2, $0x0  }
0x4e: {  	s3 =	rddreg [dreg:$0x2];
	[bflag:$0x3] =	sbarrier.arrive $0xFFFF;
	s2 =	simm.s32 @!p0 $0x1C05  }
0x4f: {  	[timem:s3], [sflag:s2] =	dma.local @!p0 [hbm:s0], s1  }
0x50: {  	s0 =	simm.s32 @!p0 $0x5  }
0x51: {  	_ =	swait.ge @!p0 [sflag:s0], s1  }
0x52: {  	s1 =	ssub.s32 @!p0 $0x0, s1;
	[sflag:s0] =	ssyncset.done @!p0 $0x0  }
0x53: {  	[sflag:s0] =	ssyncadd.s32 @!p0 s1  }
0x54: {  	[bflag:$0x3] =	sbarrier.arrive $0xFFFF  }
0x55: {  	_ =	shalt  }

</sc_bundles>
